<compile_context>
chip_gen: v7x
topology: tpu7x:2x2x1
jax: 0.10.2.dev20260603
libtpu: 0.0.44.dev20260713+nightly
codegen_flags: <defaults>
</compile_context>

<pallas_src>
import functools

import jax
import jax.numpy as jnp
from jax.experimental import pallas as pl
from jax.experimental.pallas import tpu as pltpu

NATOMS0 = 128
N_ATOMS = 256
NFEAT = 42
NNEI = 100
BATCH = 8
HID = 15
ROWS = BATCH * N_ATOMS


def _energy_body(im_ref,
                 W0a, b0a, W1a, b1a, WoTa, boa, W0Ta, W1Ta,
                 W0b, b0b, W1b, b1b, WoTb, bob, W0Tb, W1Tb,
                 ei_ref, etot_ref, ig_ref):
    x = im_ref[...]

    def one_type(xt, W0, b0, W1, b1, WoT, bo, W0T, W1T):
        h0 = jnp.dot(xt, W0[...], preferred_element_type=jnp.float32) + b0[...]
        h1 = jnp.dot(h0, W1[...], preferred_element_type=jnp.float32) + b1[...]
        r = jnp.maximum(h1, 0.0)
        e = jnp.sum(r * WoT[...], axis=1) + bo[0, 0]
        g = jnp.where(h1 > 0.0, WoT[...], 0.0)
        dh0 = jnp.dot(g, W1T[...], preferred_element_type=jnp.float32)
        dx = jnp.dot(dh0, W0T[...], preferred_element_type=jnp.float32)
        return e, dx

    x0 = x[:, :NATOMS0, :].reshape(BATCH * NATOMS0, NFEAT)
    x1 = x[:, NATOMS0:, :].reshape(BATCH * NATOMS0, NFEAT)
    e0, ig0 = one_type(x0, W0a, b0a, W1a, b1a, WoTa, boa, W0Ta, W1Ta)
    e1, ig1 = one_type(x1, W0b, b0b, W1b, b1b, WoTb, bob, W0Tb, W1Tb)

    e0 = e0.reshape(BATCH, NATOMS0)
    e1 = e1.reshape(BATCH, NATOMS0)
    ei_ref[:, :NATOMS0] = e0
    ei_ref[:, NATOMS0:] = e1
    etot_ref[...] = (jnp.sum(e0, axis=1, keepdims=True)
                     + jnp.sum(e1, axis=1, keepdims=True))
    ig_ref[:, :NATOMS0, :] = ig0.reshape(BATCH, NATOMS0, NFEAT)
    ig_ref[:, NATOMS0:, :] = ig1.reshape(BATCH, NATOMS0, NFEAT)


def _force_body(igt_ref, d_ref, nei_ref, out_ref, idx_s, wlo_s, whi_s, acc):
    f = pl.program_id(1)
    step = pl.program_id(0) * NFEAT + f

    @pl.when(step == 0)
    def _prep():
        nei = nei_ref[...] - 1
        keep = nei != 0
        idx = jnp.where(nei < 0, nei + N_ATOMS, nei)
        hi = (idx >= 128) & keep
        lo = (idx < 128) & keep
        idx_s[...] = idx & 127
        wlo_s[...] = lo.astype(jnp.float32)
        whi_s[...] = hi.astype(jnp.float32)

    table = igt_ref[0]
    idx = idx_s[...]
    half = N_ATOMS // 2

    def gather_half(tab_half):
        x = jnp.broadcast_to(tab_half[:, None, :], (BATCH, N_ATOMS, half))
        x = x.reshape(ROWS, half)
        return jnp.take_along_axis(x, idx, axis=1, mode="promise_in_bounds")

    glo = gather_half(table[:, :half])
    ghi = gather_half(table[:, half:])
    contrib = (glo * wlo_s[...] + ghi * whi_s[...]) * d_ref[0]

    @pl.when(f == 0)
    def _init():
        acc[...] = contrib

    @pl.when(f > 0)
    def _acc():
        acc[...] += contrib

    @pl.when(f == NFEAT - 1)
    def _out():
        out_ref[0] = jnp.sum(acc[...], axis=1, keepdims=True)


@functools.partial(jax.jit, static_argnames=("interpret",))
def _run(image, dfeat, neighbor,
         W0_0, b0_0, W1_0, b1_0, Wo_0, bo_0,
         W0_1, b0_1, W1_1, b1_1, Wo_1, bo_1, interpret=False):
    B, N = image.shape[0], image.shape[1]

    def r2(b):
        return b.reshape(1, -1)

    ei2d, etot, ig = pl.pallas_call(
        _energy_body,
        interpret=interpret,
        out_shape=(
            jax.ShapeDtypeStruct((B, N), jnp.float32),
            jax.ShapeDtypeStruct((B, 1), jnp.float32),
            jax.ShapeDtypeStruct((B, N, NFEAT), jnp.float32),
        ),
    )(image,
      W0_0, r2(b0_0), W1_0, r2(b1_0), Wo_0.T, bo_0.reshape(1, 1),
      W0_0.T, W1_0.T,
      W0_1, r2(b0_1), W1_1, r2(b1_1), Wo_1.T, bo_1.reshape(1, 1),
      W0_1.T, W1_1.T)

    igt = jnp.transpose(ig, (2, 0, 1))
    dfeatT = dfeat.transpose(3, 4, 0, 1, 2).reshape(NFEAT * 3, ROWS, NNEI)
    nei2 = neighbor.reshape(ROWS, NNEI)

    out = pl.pallas_call(
        _force_body,
        grid=(3, NFEAT),
        in_specs=[
            pl.BlockSpec((1, B, N), lambda c, f: (f, 0, 0)),
            pl.BlockSpec((1, ROWS, NNEI), lambda c, f: (f * 3 + c, 0, 0)),
            pl.BlockSpec((ROWS, NNEI), lambda c, f: (0, 0)),
        ],
        out_specs=pl.BlockSpec((1, ROWS, 1), lambda c, f: (c, 0, 0)),
        out_shape=jax.ShapeDtypeStruct((3, ROWS, 1), jnp.float32),
        scratch_shapes=[
            pltpu.VMEM((ROWS, NNEI), jnp.int32),
            pltpu.VMEM((ROWS, NNEI), jnp.float32),
            pltpu.VMEM((ROWS, NNEI), jnp.float32),
            pltpu.VMEM((ROWS, NNEI), jnp.float32),
        ],
        interpret=interpret,
    )(igt, dfeatT, nei2)

    force = jnp.transpose(out.reshape(3, B, N), (1, 2, 0))
    return force, etot, ei2d[..., None]


def kernel(image, dfeat, neighbor, W0_0, b0_0, W1_0, b1_0, Wo_0, bo_0,
           W0_1, b0_1, W1_1, b1_1, Wo_1, bo_1):
    return _run(image, dfeat, neighbor, W0_0, b0_0, W1_0, b1_0, Wo_0, bo_0,
                W0_1, b0_1, W1_1, b1_1, Wo_1, bo_1)

# --- scband reference (transcript-rebuilt; emitter-appended) ---
"""Pipeline reference for scband-mlffnet-4174708212055 (READ-ONLY COPY).

The authoritative reference and input builder live on the scoring server;
editing this copy changes nothing except your own understanding.
"""

import jax, jax.numpy as jnp
import numpy as np

NATOMS = [128, 128]
NFEAT = 42
NNEI = 100
BATCH = 8
HID = 15


def _mlp(x, W0, b0, W1, b1, Wo, bo):
    # Faithful to FCNet.forward: no activation between fcs, single relu before output
    h = x @ W0 + b0
    h = h @ W1 + b1
    h = jax.nn.relu(h)
    return h @ Wo + bo


def setup_inputs(seed: int = 0):
    key = jax.random.key(seed)
    ks = jax.random.split(key, 16)
    N = sum(NATOMS)
    inp = {}
    inp['image'] = jax.random.normal(ks[0], (BATCH, N, NFEAT), dtype=jnp.float32)
    inp['dfeat'] = jax.random.normal(ks[1], (BATCH, N, NNEI, NFEAT, 3), dtype=jnp.float32)
    inp['neighbor'] = jax.random.randint(ks[2], (BATCH, N, NNEI), 0, N, dtype=jnp.int32)
    # per-atom-type FCNet parameters (2 atom types)
    kidx = 3
    for t in range(2):
        inp['W0_%d' % t] = 0.1 * jax.random.normal(ks[kidx], (NFEAT, HID), dtype=jnp.float32); kidx += 1
        inp['b0_%d' % t] = 0.1 * jax.random.normal(ks[kidx], (HID,), dtype=jnp.float32); kidx += 1
        inp['W1_%d' % t] = 0.1 * jax.random.normal(ks[kidx], (HID, HID), dtype=jnp.float32); kidx += 1
        inp['b1_%d' % t] = 0.1 * jax.random.normal(ks[kidx], (HID,), dtype=jnp.float32); kidx += 1
        inp['Wo_%d' % t] = 0.1 * jax.random.normal(ks[kidx], (HID, 1), dtype=jnp.float32); kidx += 1
        inp['bo_%d' % t] = 0.1 * jax.random.normal(ks[kidx], (1,), dtype=jnp.float32); kidx += 1
    return inp


def reference(image, dfeat, neighbor, W0_0, b0_0, W1_0, b1_0, Wo_0, bo_0, W0_1, b0_1, W1_1, b1_1, Wo_1, bo_1):
    N = sum(NATOMS)
    B = image.shape[0]

    def energy(im):
        e0 = _mlp(im[:, :NATOMS[0]], W0_0, b0_0, W1_0, b1_0, Wo_0, bo_0)
        e1 = _mlp(im[:, NATOMS[0]:], W0_1, b0_1, W1_1, b1_1, Wo_1, bo_1)
        return jnp.concatenate([e0, e1], axis=1)  # [B, N, 1]

    Ei = energy(image)
    Etot = Ei.sum(axis=1)  # [B, 1]
    # out_sum.backward(): gradient of total energy w.r.t. input features
    input_grad = jax.grad(lambda im: energy(im).sum())(image)  # [B, N, NFEAT]

    nei = neighbor - 1
    # torch code skips entries where nei_index == 0
    mask = (nei != 0).astype(image.dtype)
    # torch negative indexing (neighbor value 0 -> index -1 -> last atom)
    idx = jnp.where(nei < 0, nei + N, nei)
    gathered = jnp.take_along_axis(input_grad, idx.reshape(B, -1)[:, :, None], axis=1)
    gathered = gathered.reshape(B, N, NNEI, NFEAT)
    Force = jnp.einsum('binf,binfc->bic', gathered * mask[..., None], dfeat)  # [B, N, 3]
    return Force, Etot, Ei

if __name__ == "__main__":
    import jax
    _d = setup_inputs()
    print(jax.jit(kernel)(*tuple(_d.values())))

</pallas_src>

<mosaic_0001>
module attributes {stable_mosaic.version = 14 : i64} {
  func.func @_energy_body(%arg0: memref<8x256x42xf32, #tpu.memory_space<vmem>>, %arg1: memref<42x15xf32, #tpu.memory_space<vmem>>, %arg2: memref<1x15xf32, #tpu.memory_space<vmem>>, %arg3: memref<15x15xf32, #tpu.memory_space<vmem>>, %arg4: memref<1x15xf32, #tpu.memory_space<vmem>>, %arg5: memref<1x15xf32, #tpu.memory_space<vmem>>, %arg6: memref<1x1xf32, #tpu.memory_space<vmem>>, %arg7: memref<15x42xf32, #tpu.memory_space<vmem>>, %arg8: memref<15x15xf32, #tpu.memory_space<vmem>>, %arg9: memref<42x15xf32, #tpu.memory_space<vmem>>, %arg10: memref<1x15xf32, #tpu.memory_space<vmem>>, %arg11: memref<15x15xf32, #tpu.memory_space<vmem>>, %arg12: memref<1x15xf32, #tpu.memory_space<vmem>>, %arg13: memref<1x15xf32, #tpu.memory_space<vmem>>, %arg14: memref<1x1xf32, #tpu.memory_space<vmem>>, %arg15: memref<15x42xf32, #tpu.memory_space<vmem>>, %arg16: memref<15x15xf32, #tpu.memory_space<vmem>>, %arg17: memref<8x256xf32, #tpu.memory_space<vmem>>, %arg18: memref<8x1xf32, #tpu.memory_space<vmem>>, %arg19: memref<8x256x42xf32, #tpu.memory_space<vmem>>) attributes {dimension_semantics = [], scalar_prefetch = 0 : i64, scratch_operands = 0 : i64, tpu.core_type = #tpu.core_type<tc>} {
    %get3A = arith.constant 0 : index
    %get3A_0 = arith.constant 0 : index
    %get3A_1 = arith.constant 0 : index
    %get3A_2 = vector.load %arg0[%get3A, %get3A_0, %get3A_1] : memref<8x256x42xf32, #tpu.memory_space<vmem>>, vector<8x256x42xf32>
    %slice3A = vector.extract_strided_slice %get3A_2 {offsets = [0, 0, 0], sizes = [8, 128, 42], strides = [1, 1, 1]} : vector<8x256x42xf32> to vector<8x128x42xf32>
    %reshape3A = vector.shape_cast %slice3A : vector<8x128x42xf32> to vector<1024x42xf32>
    %slice3A_3 = vector.extract_strided_slice %get3A_2 {offsets = [0, 128, 0], sizes = [8, 128, 42], strides = [1, 1, 1]} : vector<8x256x42xf32> to vector<8x128x42xf32>
    %reshape3A_4 = vector.shape_cast %slice3A_3 : vector<8x128x42xf32> to vector<1024x42xf32>
    %get3A_5 = arith.constant 0 : index
    %get3A_6 = arith.constant 0 : index
    %get3A_7 = vector.load %arg1[%get3A_5, %get3A_6] : memref<42x15xf32, #tpu.memory_space<vmem>>, vector<42x15xf32>
    %dot_general3A = arith.constant dense<0.000000e+00> : vector<1024x15xf32>
    %dot_general3A_8 = tpu.matmul %reshape3A, %get3A_7, %dot_general3A {dimension_numbers = #tpu.dot_dimension_numbers<[1], [0], [0], [1], [0, 0, 1, 1], [], []>, transpose_lhs_hint = false} : vector<1024x42xf32>, vector<42x15xf32>, vector<1024x15xf32> -> vector<1024x15xf32>
    %get3A_9 = arith.constant 0 : index
    %get3A_10 = arith.constant 0 : index
    %get3A_11 = vector.load %arg2[%get3A_9, %get3A_10] : memref<1x15xf32, #tpu.memory_space<vmem>>, vector<1x15xf32>
    %add3A = vector.broadcast %get3A_11 : vector<1x15xf32> to vector<1024x15xf32>
    %add3A_12 = arith.addf %dot_general3A_8, %add3A : vector<1024x15xf32>
    %get3A_13 = arith.constant 0 : index
    %get3A_14 = arith.constant 0 : index
    %get3A_15 = vector.load %arg3[%get3A_13, %get3A_14] : memref<15x15xf32, #tpu.memory_space<vmem>>, vector<15x15xf32>
    %dot_general3A_16 = arith.constant dense<0.000000e+00> : vector<1024x15xf32>
    %dot_general3A_17 = tpu.matmul %add3A_12, %get3A_15, %dot_general3A_16 {dimension_numbers = #tpu.dot_dimension_numbers<[1], [0], [0], [1], [0, 0, 1, 1], [], []>, transpose_lhs_hint = false} : vector<1024x15xf32>, vector<15x15xf32>, vector<1024x15xf32> -> vector<1024x15xf32>
    %get3A_18 = arith.constant 0 : index
    %get3A_19 = arith.constant 0 : index
    %get3A_20 = vector.load %arg4[%get3A_18, %get3A_19] : memref<1x15xf32, #tpu.memory_space<vmem>>, vector<1x15xf32>
    %add3A_21 = vector.broadcast %get3A_20 : vector<1x15xf32> to vector<1024x15xf32>
    %add3A_22 = arith.addf %dot_general3A_17, %add3A_21 : vector<1024x15xf32>
    %max3A = arith.constant 0.000000e+00 : f32
    %max3A_23 = vector.broadcast %max3A : f32 to vector<1024x15xf32>
    %max3A_24 = arith.maximumf %add3A_22, %max3A_23 : vector<1024x15xf32>
    %get3A_25 = arith.constant 0 : index
    %get3A_26 = arith.constant 0 : index
    %get3A_27 = vector.load %arg5[%get3A_25, %get3A_26] : memref<1x15xf32, #tpu.memory_space<vmem>>, vector<1x15xf32>
    %mul3A = vector.broadcast %get3A_27 : vector<1x15xf32> to vector<1024x15xf32>
    %mul3A_28 = arith.mulf %max3A_24, %mul3A : vector<1024x15xf32>
    %reduce_sum3A = arith.constant dense<0.000000e+00> : vector<1024xf32>
    %reduce_sum3A_29 = vector.multi_reduction <add>, %mul3A_28, %reduce_sum3A [1] : vector<1024x15xf32> to vector<1024xf32>
    %get3A_30 = arith.constant 0 : index
    %get3A_31 = arith.constant 0 : index
    %get3A_32 = vector.load %arg6[%get3A_30, %get3A_31] : memref<1x1xf32, #tpu.memory_space<vmem>>, vector<1x1xf32>
    %get3A_33 = vector.extract %get3A_32[0, 0] : f32 from vector<1x1xf32>
    %add3A_34 = vector.broadcast %get3A_33 : f32 to vector<1024xf32>
    %add3A_35 = arith.addf %reduce_sum3A_29, %add3A_34 : vector<1024xf32>
    %gt3A = arith.constant 0.000000e+00 : f32
    %gt3A_36 = vector.broadcast %gt3A : f32 to vector<1024x15xf32>
    %gt3A_37 = arith.cmpf ogt, %add3A_22, %gt3A_36 : vector<1024x15xf32>
    %get3A_38 = arith.constant 0 : index
    %get3A_39 = arith.constant 0 : index
    %get3A_40 = vector.load %arg5[%get3A_38, %get3A_39] : memref<1x15xf32, #tpu.memory_space<vmem>>, vector<1x15xf32>
    %jit3A = arith.constant 0.000000e+00 : f32
    %broadcast_in_dim3A = vector.shape_cast %get3A_40 : vector<1x15xf32> to vector<1x15xf32>
    %broadcast_in_dim3A_41 = vector.broadcast %broadcast_in_dim3A : vector<1x15xf32> to vector<1024x15xf32>
    %broadcast_in_dim3A_42 = vector.broadcast %jit3A : f32 to vector<1024x15xf32>
    %select_n3A = arith.select %gt3A_37, %broadcast_in_dim3A_41, %broadcast_in_dim3A_42 : vector<1024x15xi1>, vector<1024x15xf32>
    %get3A_43 = arith.constant 0 : index
    %get3A_44 = arith.constant 0 : index
    %get3A_45 = vector.load %arg8[%get3A_43, %get3A_44] : memref<15x15xf32, #tpu.memory_space<vmem>>, vector<15x15xf32>
    %dot_general3A_46 = arith.constant dense<0.000000e+00> : vector<1024x15xf32>
    %dot_general3A_47 = tpu.matmul %select_n3A, %get3A_45, %dot_general3A_46 {dimension_numbers = #tpu.dot_dimension_numbers<[1], [0], [0], [1], [0, 0, 1, 1], [], []>, transpose_lhs_hint = false} : vector<1024x15xf32>, vector<15x15xf32>, vector<1024x15xf32> -> vector<1024x15xf32>
    %get3A_48 = arith.constant 0 : index
    %get3A_49 = arith.constant 0 : index
    %get3A_50 = vector.load %arg7[%get3A_48, %get3A_49] : memref<15x42xf32, #tpu.memory_space<vmem>>, vector<15x42xf32>
    %dot_general3A_51 = arith.constant dense<0.000000e+00> : vector<1024x42xf32>
    %dot_general3A_52 = tpu.matmul %dot_general3A_47, %get3A_50, %dot_general3A_51 {dimension_numbers = #tpu.dot_dimension_numbers<[1], [0], [0], [1], [0, 0, 1, 1], [], []>, transpose_lhs_hint = false} : vector<1024x15xf32>, vector<15x42xf32>, vector<1024x42xf32> -> vector<1024x42xf32>
    %get3A_53 = arith.constant 0 : index
    %get3A_54 = arith.constant 0 : index
    %get3A_55 = vector.load %arg9[%get3A_53, %get3A_54] : memref<42x15xf32, #tpu.memory_space<vmem>>, vector<42x15xf32>
    %dot_general3A_56 = arith.constant dense<0.000000e+00> : vector<1024x15xf32>
    %dot_general3A_57 = tpu.matmul %reshape3A_4, %get3A_55, %dot_general3A_56 {dimension_numbers = #tpu.dot_dimension_numbers<[1], [0], [0], [1], [0, 0, 1, 1], [], []>, transpose_lhs_hint = false} : vector<1024x42xf32>, vector<42x15xf32>, vector<1024x15xf32> -> vector<1024x15xf32>
    %get3A_58 = arith.constant 0 : index
    %get3A_59 = arith.constant 0 : index
    %get3A_60 = vector.load %arg10[%get3A_58, %get3A_59] : memref<1x15xf32, #tpu.memory_space<vmem>>, vector<1x15xf32>
    %add3A_61 = vector.broadcast %get3A_60 : vector<1x15xf32> to vector<1024x15xf32>
    %add3A_62 = arith.addf %dot_general3A_57, %add3A_61 : vector<1024x15xf32>
    %get3A_63 = arith.constant 0 : index
    %get3A_64 = arith.constant 0 : index
    %get3A_65 = vector.load %arg11[%get3A_63, %get3A_64] : memref<15x15xf32, #tpu.memory_space<vmem>>, vector<15x15xf32>
    %dot_general3A_66 = arith.constant dense<0.000000e+00> : vector<1024x15xf32>
    %dot_general3A_67 = tpu.matmul %add3A_62, %get3A_65, %dot_general3A_66 {dimension_numbers = #tpu.dot_dimension_numbers<[1], [0], [0], [1], [0, 0, 1, 1], [], []>, transpose_lhs_hint = false} : vector<1024x15xf32>, vector<15x15xf32>, vector<1024x15xf32> -> vector<1024x15xf32>
    %get3A_68 = arith.constant 0 : index
    %get3A_69 = arith.constant 0 : index
    %get3A_70 = vector.load %arg12[%get3A_68, %get3A_69] : memref<1x15xf32, #tpu.memory_space<vmem>>, vector<1x15xf32>
    %add3A_71 = vector.broadcast %get3A_70 : vector<1x15xf32> to vector<1024x15xf32>
    %add3A_72 = arith.addf %dot_general3A_67, %add3A_71 : vector<1024x15xf32>
    %max3A_73 = arith.constant 0.000000e+00 : f32
    %max3A_74 = vector.broadcast %max3A_73 : f32 to vector<1024x15xf32>
    %max3A_75 = arith.maximumf %add3A_72, %max3A_74 : vector<1024x15xf32>
    %get3A_76 = arith.constant 0 : index
    %get3A_77 = arith.constant 0 : index
    %get3A_78 = vector.load %arg13[%get3A_76, %get3A_77] : memref<1x15xf32, #tpu.memory_space<vmem>>, vector<1x15xf32>
    %mul3A_79 = vector.broadcast %get3A_78 : vector<1x15xf32> to vector<1024x15xf32>
    %mul3A_80 = arith.mulf %max3A_75, %mul3A_79 : vector<1024x15xf32>
    %reduce_sum3A_81 = arith.constant dense<0.000000e+00> : vector<1024xf32>
    %reduce_sum3A_82 = vector.multi_reduction <add>, %mul3A_80, %reduce_sum3A_81 [1] : vector<1024x15xf32> to vector<1024xf32>
    %get3A_83 = arith.constant 0 : index
    %get3A_84 = arith.constant 0 : index
    %get3A_85 = vector.load %arg14[%get3A_83, %get3A_84] : memref<1x1xf32, #tpu.memory_space<vmem>>, vector<1x1xf32>
    %get3A_86 = vector.extract %get3A_85[0, 0] : f32 from vector<1x1xf32>
    %add3A_87 = vector.broadcast %get3A_86 : f32 to vector<1024xf32>
    %add3A_88 = arith.addf %reduce_sum3A_82, %add3A_87 : vector<1024xf32>
    %gt3A_89 = arith.constant 0.000000e+00 : f32
    %gt3A_90 = vector.broadcast %gt3A_89 : f32 to vector<1024x15xf32>
    %gt3A_91 = arith.cmpf ogt, %add3A_72, %gt3A_90 : vector<1024x15xf32>
    %get3A_92 = arith.constant 0 : index
    %get3A_93 = arith.constant 0 : index
    %get3A_94 = vector.load %arg13[%get3A_92, %get3A_93] : memref<1x15xf32, #tpu.memory_space<vmem>>, vector<1x15xf32>
    %jit3A_95 = arith.constant 0.000000e+00 : f32
    %broadcast_in_dim3A_96 = vector.shape_cast %get3A_94 : vector<1x15xf32> to vector<1x15xf32>
    %broadcast_in_dim3A_97 = vector.broadcast %broadcast_in_dim3A_96 : vector<1x15xf32> to vector<1024x15xf32>
    %broadcast_in_dim3A_98 = vector.broadcast %jit3A_95 : f32 to vector<1024x15xf32>
    %select_n3A_99 = arith.select %gt3A_91, %broadcast_in_dim3A_97, %broadcast_in_dim3A_98 : vector<1024x15xi1>, vector<1024x15xf32>
    %get3A_100 = arith.constant 0 : index
    %get3A_101 = arith.constant 0 : index
    %get3A_102 = vector.load %arg16[%get3A_100, %get3A_101] : memref<15x15xf32, #tpu.memory_space<vmem>>, vector<15x15xf32>
    %dot_general3A_103 = arith.constant dense<0.000000e+00> : vector<1024x15xf32>
    %dot_general3A_104 = tpu.matmul %select_n3A_99, %get3A_102, %dot_general3A_103 {dimension_numbers = #tpu.dot_dimension_numbers<[1], [0], [0], [1], [0, 0, 1, 1], [], []>, transpose_lhs_hint = false} : vector<1024x15xf32>, vector<15x15xf32>, vector<1024x15xf32> -> vector<1024x15xf32>
    %get3A_105 = arith.constant 0 : index
    %get3A_106 = arith.constant 0 : index
    %get3A_107 = vector.load %arg15[%get3A_105, %get3A_106] : memref<15x42xf32, #tpu.memory_space<vmem>>, vector<15x42xf32>
    %dot_general3A_108 = arith.constant dense<0.000000e+00> : vector<1024x42xf32>
    %dot_general3A_109 = tpu.matmul %dot_general3A_104, %get3A_107, %dot_general3A_108 {dimension_numbers = #tpu.dot_dimension_numbers<[1], [0], [0], [1], [0, 0, 1, 1], [], []>, transpose_lhs_hint = false} : vector<1024x15xf32>, vector<15x42xf32>, vector<1024x42xf32> -> vector<1024x42xf32>
    %reshape3A_110 = vector.shape_cast %add3A_35 : vector<1024xf32> to vector<8x128xf32>
    %reshape3A_111 = vector.shape_cast %add3A_88 : vector<1024xf32> to vector<8x128xf32>
    %swap3A = arith.constant 0 : index
    %swap3A_112 = arith.constant 0 : index
    %swap3A_113 = vector.load %arg17[%swap3A, %swap3A_112] : memref<8x256xf32, #tpu.memory_space<vmem>>, vector<8x128xf32>
    tpu.vector_store %arg17[%swap3A, %swap3A_112], %reshape3A_110 {strides = array<i32>} : memref<8x256xf32, #tpu.memory_space<vmem>>, vector<8x128xf32>,
    %swap3A_114 = arith.constant 0 : index
    %swap3A_115 = arith.constant 128 : index
    %swap3A_116 = vector.load %arg17[%swap3A_114, %swap3A_115] : memref<8x256xf32, #tpu.memory_space<vmem>>, vector<8x128xf32>
    tpu.vector_store %arg17[%swap3A_114, %swap3A_115], %reshape3A_111 {strides = array<i32>} : memref<8x256xf32, #tpu.memory_space<vmem>>, vector<8x128xf32>,
    %reduce_sum3A_117 = arith.constant dense<0.000000e+00> : vector<8xf32>
    %reduce_sum3A_118 = vector.multi_reduction <add>, %reshape3A_110, %reduce_sum3A_117 [1] : vector<8x128xf32> to vector<8xf32>
    %broadcast_in_dim3A_119 = vector.shape_cast %reduce_sum3A_118 : vector<8xf32> to vector<8x1xf32>
    %reduce_sum3A_120 = arith.constant dense<0.000000e+00> : vector<8xf32>
    %reduce_sum3A_121 = vector.multi_reduction <add>, %reshape3A_111, %reduce_sum3A_120 [1] : vector<8x128xf32> to vector<8xf32>
    %broadcast_in_dim3A_122 = vector.shape_cast %reduce_sum3A_121 : vector<8xf32> to vector<8x1xf32>
    %add3A_123 = arith.addf %broadcast_in_dim3A_119, %broadcast_in_dim3A_122 : vector<8x1xf32>
    %swap3A_124 = arith.constant 0 : index
    %swap3A_125 = arith.constant 0 : index
    %swap3A_126 = vector.load %arg18[%swap3A_124, %swap3A_125] : memref<8x1xf32, #tpu.memory_space<vmem>>, vector<8x1xf32>
    tpu.vector_store %arg18[%swap3A_124, %swap3A_125], %add3A_123 {strides = array<i32>} : memref<8x1xf32, #tpu.memory_space<vmem>>, vector<8x1xf32>,
    %reshape3A_127 = vector.shape_cast %dot_general3A_52 : vector<1024x42xf32> to vector<8x128x42xf32>
    %swap3A_128 = arith.constant 0 : index
    %swap3A_129 = arith.constant 0 : index
    %swap3A_130 = arith.constant 0 : index
    %swap3A_131 = vector.load %arg19[%swap3A_128, %swap3A_129, %swap3A_130] : memref<8x256x42xf32, #tpu.memory_space<vmem>>, vector<8x128x42xf32>
    tpu.vector_store %arg19[%swap3A_128, %swap3A_129, %swap3A_130], %reshape3A_127 {strides = array<i32>} : memref<8x256x42xf32, #tpu.memory_space<vmem>>, vector<8x128x42xf32>,
    %reshape3A_132 = vector.shape_cast %dot_general3A_109 : vector<1024x42xf32> to vector<8x128x42xf32>
    %swap3A_133 = arith.constant 0 : index
    %swap3A_134 = arith.constant 128 : index
    %swap3A_135 = arith.constant 0 : index
    %swap3A_136 = vector.load %arg19[%swap3A_133, %swap3A_134, %swap3A_135] : memref<8x256x42xf32, #tpu.memory_space<vmem>>, vector<8x128x42xf32>
    tpu.vector_store %arg19[%swap3A_133, %swap3A_134, %swap3A_135], %reshape3A_132 {strides = array<i32>} : memref<8x256x42xf32, #tpu.memory_space<vmem>>, vector<8x128x42xf32>,
    return
  }
}

module attributes {stable_mosaic.version = 14 : i64} {
  func.func @_force_body(%arg0: i32, %arg1: i32, %arg2: memref<1x8x256xf32, #tpu.memory_space<vmem>>, %arg3: memref<1x2048x100xf32, #tpu.memory_space<vmem>>, %arg4: memref<2048x100xi32, #tpu.memory_space<vmem>>, %arg5: memref<1x2048x1xf32, #tpu.memory_space<vmem>>, %arg6: memref<2048x100xi32, #tpu.memory_space<vmem>>, %arg7: memref<2048x100xf32, #tpu.memory_space<vmem>>, %arg8: memref<2048x100xf32, #tpu.memory_space<vmem>>, %arg9: memref<2048x100xf32, #tpu.memory_space<vmem>>) attributes {dimension_semantics = [#tpu.dimension_semantics<arbitrary>, #tpu.dimension_semantics<arbitrary>], iteration_bounds = array<i64: 3, 42>, scalar_prefetch = 0 : i64, scratch_operands = 4 : i64, tpu.core_type = #tpu.core_type<tc>, window_params = [{transform_indices = @transform_0, window_bounds = array<i64: 1, 8, 256>}, {transform_indices = @transform_1, window_bounds = array<i64: 1, 2048, 100>}, {pipeline_mode = #tpu.pipeline_mode<synchronous>, transform_indices = @transform_2, window_bounds = array<i64: 2048, 100>}, {transform_indices = @transform_3, window_bounds = array<i64: 1, 2048, 1>}]} {
    %mul3A = arith.constant 42 : i32
    %mul3A_0 = arith.muli %arg0, %mul3A : i32
    %add3A = arith.addi %mul3A_0, %arg1 : i32
    %eq3A = arith.constant 0 : i32
    %eq3A_1 = arith.cmpi eq, %add3A, %eq3A : i32
    %convert_element_type3A = arith.extui %eq3A_1 : i1 to i32
    %cond3A = arith.constant 0 : i32
    %cond3A_2 = arith.cmpi ne, %convert_element_type3A, %cond3A : i32
    scf.if %cond3A_2 {
      %get3A_51 = arith.constant 0 : index
      %get3A_52 = arith.constant 0 : index
      %get3A_53 = vector.load %arg4[%get3A_51, %get3A_52] : memref<2048x100xi32, #tpu.memory_space<vmem>>, vector<2048x100xi32>
      %sub3A = arith.constant 1 : i32
      %sub3A_54 = vector.broadcast %sub3A : i32 to vector<2048x100xi32>
      %sub3A_55 = arith.subi %get3A_53, %sub3A_54 : vector<2048x100xi32>
      %ne3A = arith.constant 0 : i32
      %ne3A_56 = vector.broadcast %ne3A : i32 to vector<2048x100xi32>
      %ne3A_57 = arith.cmpi ne, %sub3A_55, %ne3A_56 : vector<2048x100xi32>
      %lt3A = arith.constant 0 : i32
      %lt3A_58 = vector.broadcast %lt3A : i32 to vector<2048x100xi32>
      %lt3A_59 = arith.cmpi slt, %sub3A_55, %lt3A_58 : vector<2048x100xi32>
      %add3A_60 = arith.constant 256 : i32
      %add3A_61 = vector.broadcast %add3A_60 : i32 to vector<2048x100xi32>
      %add3A_62 = arith.addi %sub3A_55, %add3A_61 : vector<2048x100xi32>
      %select_n3A = arith.select %lt3A_59, %add3A_62, %sub3A_55 : vector<2048x100xi1>, vector<2048x100xi32>
      %ge3A = arith.constant 128 : i32
      %ge3A_63 = vector.broadcast %ge3A : i32 to vector<2048x100xi32>
      %ge3A_64 = arith.cmpi sge, %select_n3A, %ge3A_63 : vector<2048x100xi32>
      %and3A = arith.andi %ge3A_64, %ne3A_57 : vector<2048x100xi1>
      %lt3A_65 = arith.constant 128 : i32
      %lt3A_66 = vector.broadcast %lt3A_65 : i32 to vector<2048x100xi32>
      %lt3A_67 = arith.cmpi slt, %select_n3A, %lt3A_66 : vector<2048x100xi32>
      %and3A_68 = arith.andi %lt3A_67, %ne3A_57 : vector<2048x100xi1>
      %and3A_69 = arith.constant 127 : i32
      %and3A_70 = vector.broadcast %and3A_69 : i32 to vector<2048x100xi32>
      %and3A_71 = arith.andi %select_n3A, %and3A_70 : vector<2048x100xi32>
      %swap3A = arith.constant 0 : index
      %swap3A_72 = arith.constant 0 : index
      %swap3A_73 = vector.load %arg6[%swap3A, %swap3A_72] : memref<2048x100xi32, #tpu.memory_space<vmem>>, vector<2048x100xi32>
      tpu.vector_store %arg6[%swap3A, %swap3A_72], %and3A_71 {strides = array<i32>} : memref<2048x100xi32, #tpu.memory_space<vmem>>, vector<2048x100xi32>,
      %convert_element_type3A_74 = arith.extui %and3A_68 : vector<2048x100xi1> to vector<2048x100xi32>
      %convert_element_type3A_75 = arith.sitofp %convert_element_type3A_74 : vector<2048x100xi32> to vector<2048x100xf32>
      %swap3A_76 = arith.constant 0 : index
      %swap3A_77 = arith.constant 0 : index
      %swap3A_78 = vector.load %arg7[%swap3A_76, %swap3A_77] : memref<2048x100xf32, #tpu.memory_space<vmem>>, vector<2048x100xf32>
      tpu.vector_store %arg7[%swap3A_76, %swap3A_77], %convert_element_type3A_75 {strides = array<i32>} : memref<2048x100xf32, #tpu.memory_space<vmem>>, vector<2048x100xf32>,
      %convert_element_type3A_79 = arith.extui %and3A : vector<2048x100xi1> to vector<2048x100xi32>
      %convert_element_type3A_80 = arith.sitofp %convert_element_type3A_79 : vector<2048x100xi32> to vector<2048x100xf32>
      %swap3A_81 = arith.constant 0 : index
      %swap3A_82 = arith.constant 0 : index
      %swap3A_83 = vector.load %arg8[%swap3A_81, %swap3A_82] : memref<2048x100xf32, #tpu.memory_space<vmem>>, vector<2048x100xf32>
      tpu.vector_store %arg8[%swap3A_81, %swap3A_82], %convert_element_type3A_80 {strides = array<i32>} : memref<2048x100xf32, #tpu.memory_space<vmem>>, vector<2048x100xf32>,
    } else {
    }
    %get3A = arith.constant 0 : index
    %get3A_3 = arith.constant 0 : index
    %get3A_4 = arith.constant 0 : index
    %get3A_5 = vector.load %arg2[%get3A, %get3A_3, %get3A_4] : memref<1x8x256xf32, #tpu.memory_space<vmem>>, vector<1x8x256xf32>
    %get3A_6 = vector.shape_cast %get3A_5 : vector<1x8x256xf32> to vector<8x256xf32>
    %get3A_7 = arith.constant 0 : index
    %get3A_8 = arith.constant 0 : index
    %get3A_9 = vector.load %arg6[%get3A_7, %get3A_8] : memref<2048x100xi32, #tpu.memory_space<vmem>>, vector<2048x100xi32>
    %slice3A = vector.extract_strided_slice %get3A_6 {offsets = [0, 0], sizes = [8, 128], strides = [1, 1]} : vector<8x256xf32> to vector<8x128xf32>
    %broadcast_in_dim3A = vector.shape_cast %slice3A : vector<8x128xf32> to vector<8x1x128xf32>
    %broadcast_in_dim3A_10 = vector.shape_cast %broadcast_in_dim3A : vector<8x1x128xf32> to vector<8x1x128xf32>
    %broadcast_in_dim3A_11 = vector.broadcast %broadcast_in_dim3A_10 : vector<8x1x128xf32> to vector<8x256x128xf32>
    %reshape3A = vector.shape_cast %broadcast_in_dim3A_11 : vector<8x256x128xf32> to vector<2048x128xf32>
    %reshape3A_12 = vector.shape_cast %get3A_9 : vector<2048x100xi32> to vector<2048x100x1xi32>
    %gather3A = vector.shape_cast %reshape3A_12 : vector<2048x100x1xi32> to vector<2048x100xi32>
    %gather3A_13 = tpu.dynamic_gather %reshape3A[%gather3A] in [1] : vector<2048x128xf32>, vector<2048x100xi32> -> vector<2048x100xf32>
    %slice3A_14 = vector.extract_strided_slice %get3A_6 {offsets = [0, 128], sizes = [8, 128], strides = [1, 1]} : vector<8x256xf32> to vector<8x128xf32>
    %broadcast_in_dim3A_15 = vector.shape_cast %slice3A_14 : vector<8x128xf32> to vector<8x1x128xf32>
    %broadcast_in_dim3A_16 = vector.shape_cast %broadcast_in_dim3A_15 : vector<8x1x128xf32> to vector<8x1x128xf32>
    %broadcast_in_dim3A_17 = vector.broadcast %broadcast_in_dim3A_16 : vector<8x1x128xf32> to vector<8x256x128xf32>
    %reshape3A_18 = vector.shape_cast %broadcast_in_dim3A_17 : vector<8x256x128xf32> to vector<2048x128xf32>
    %reshape3A_19 = vector.shape_cast %get3A_9 : vector<2048x100xi32> to vector<2048x100x1xi32>
    %gather3A_20 = vector.shape_cast %reshape3A_19 : vector<2048x100x1xi32> to vector<2048x100xi32>
    %gather3A_21 = tpu.dynamic_gather %reshape3A_18[%gather3A_20] in [1] : vector<2048x128xf32>, vector<2048x100xi32> -> vector<2048x100xf32>
    %get3A_22 = arith.constant 0 : index
    %get3A_23 = arith.constant 0 : index
    %get3A_24 = vector.load %arg7[%get3A_22, %get3A_23] : memref<2048x100xf32, #tpu.memory_space<vmem>>, vector<2048x100xf32>
    %mul3A_25 = arith.mulf %gather3A_13, %get3A_24 : vector<2048x100xf32>
    %get3A_26 = arith.constant 0 : index
    %get3A_27 = arith.constant 0 : index
    %get3A_28 = vector.load %arg8[%get3A_26, %get3A_27] : memref<2048x100xf32, #tpu.memory_space<vmem>>, vector<2048x100xf32>
    %mul3A_29 = arith.mulf %gather3A_21, %get3A_28 : vector<2048x100xf32>
    %add3A_30 = arith.addf %mul3A_25, %mul3A_29 : vector<2048x100xf32>
    %get3A_31 = arith.constant 0 : index
    %get3A_32 = arith.constant 0 : index
    %get3A_33 = arith.constant 0 : index
    %get3A_34 = vector.load %arg3[%get3A_31, %get3A_32, %get3A_33] : memref<1x2048x100xf32, #tpu.memory_space<vmem>>, vector<1x2048x100xf32>
    %get3A_35 = vector.shape_cast %get3A_34 : vector<1x2048x100xf32> to vector<2048x100xf32>
    %mul3A_36 = arith.mulf %add3A_30, %get3A_35 : vector<2048x100xf32>
    %eq3A_37 = arith.constant 0 : i32
    %eq3A_38 = arith.cmpi eq, %arg1, %eq3A_37 : i32
    %convert_element_type3A_39 = arith.extui %eq3A_38 : i1 to i32
    %cond3A_40 = arith.constant 0 : i32
    %cond3A_41 = arith.cmpi ne, %convert_element_type3A_39, %cond3A_40 : i32
    scf.if %cond3A_41 {
      %swap3A = arith.constant 0 : index
      %swap3A_51 = arith.constant 0 : index
      %swap3A_52 = vector.load %arg9[%swap3A, %swap3A_51] : memref<2048x100xf32, #tpu.memory_space<vmem>>, vector<2048x100xf32>
      tpu.vector_store %arg9[%swap3A, %swap3A_51], %mul3A_36 {strides = array<i32>} : memref<2048x100xf32, #tpu.memory_space<vmem>>, vector<2048x100xf32>,
    } else {
    }
    %gt3A = arith.constant 0 : i32
    %gt3A_42 = arith.cmpi sgt, %arg1, %gt3A : i32
    %convert_element_type3A_43 = arith.extui %gt3A_42 : i1 to i32
    %cond3A_44 = arith.constant 0 : i32
    %cond3A_45 = arith.cmpi ne, %convert_element_type3A_43, %cond3A_44 : i32
    scf.if %cond3A_45 {
      %get3A_51 = arith.constant 0 : index
      %get3A_52 = arith.constant 0 : index
      %get3A_53 = vector.load %arg9[%get3A_51, %get3A_52] : memref<2048x100xf32, #tpu.memory_space<vmem>>, vector<2048x100xf32>
      %add3A_54 = arith.addf %get3A_53, %mul3A_36 : vector<2048x100xf32>
      %swap3A = arith.constant 0 : index
      %swap3A_55 = arith.constant 0 : index
      %swap3A_56 = vector.load %arg9[%swap3A, %swap3A_55] : memref<2048x100xf32, #tpu.memory_space<vmem>>, vector<2048x100xf32>
      tpu.vector_store %arg9[%swap3A, %swap3A_55], %add3A_54 {strides = array<i32>} : memref<2048x100xf32, #tpu.memory_space<vmem>>, vector<2048x100xf32>,
    } else {
    }
    %eq3A_46 = arith.constant 41 : i32
    %eq3A_47 = arith.cmpi eq, %arg1, %eq3A_46 : i32
    %convert_element_type3A_48 = arith.extui %eq3A_47 : i1 to i32
    %cond3A_49 = arith.constant 0 : i32
    %cond3A_50 = arith.cmpi ne, %convert_element_type3A_48, %cond3A_49 : i32
    scf.if %cond3A_50 {
      %get3A_51 = arith.constant 0 : index
      %get3A_52 = arith.constant 0 : index
      %get3A_53 = vector.load %arg9[%get3A_51, %get3A_52] : memref<2048x100xf32, #tpu.memory_space<vmem>>, vector<2048x100xf32>
      %reduce_sum3A = arith.constant dense<0.000000e+00> : vector<2048xf32>
      %reduce_sum3A_54 = vector.multi_reduction <add>, %get3A_53, %reduce_sum3A [1] : vector<2048x100xf32> to vector<2048xf32>
      %broadcast_in_dim3A_55 = vector.shape_cast %reduce_sum3A_54 : vector<2048xf32> to vector<2048x1xf32>
      %swap3A = arith.constant 0 : index
      %swap3A_56 = arith.constant 0 : index
      %swap3A_57 = arith.constant 0 : index
      %swap3A_58 = vector.load %arg5[%swap3A, %swap3A_56, %swap3A_57] : memref<1x2048x1xf32, #tpu.memory_space<vmem>>, vector<1x2048x1xf32>
      %swap3A_59 = vector.shape_cast %swap3A_58 : vector<1x2048x1xf32> to vector<2048x1xf32>
      %swap3A_60 = vector.shape_cast %broadcast_in_dim3A_55 : vector<2048x1xf32> to vector<1x2048x1xf32>
      tpu.vector_store %arg5[%swap3A, %swap3A_56, %swap3A_57], %swap3A_60 {strides = array<i32>} : memref<1x2048x1xf32, #tpu.memory_space<vmem>>, vector<1x2048x1xf32>,
    } else {
    }
    return
  }
  func.func @transform_0(%arg0: i32, %arg1: i32) -> (i32, i32, i32) {
    %c0_i32 = arith.constant 0 : i32
    %c0_i32_0 = arith.constant 0 : i32
    %c0_i32_1 = arith.constant 0 : i32
    return %arg1, %c0_i32, %c0_i32_0 : i32, i32, i32
  }
  func.func @transform_1(%arg0: i32, %arg1: i32) -> (i32, i32, i32) {
    %mul3A = arith.constant 3 : i32
    %mul3A_0 = arith.muli %arg1, %mul3A : i32
    %add3A = arith.addi %mul3A_0, %arg0 : i32
    %c0_i32 = arith.constant 0 : i32
    %c0_i32_1 = arith.constant 0 : i32
    %c0_i32_2 = arith.constant 0 : i32
    return %add3A, %c0_i32, %c0_i32_1 : i32, i32, i32
  }
  func.func @transform_2(%arg0: i32, %arg1: i32) -> (i32, i32) {
    %c0_i32 = arith.constant 0 : i32
    %c0_i32_0 = arith.constant 0 : i32
    %c0_i32_1 = arith.constant 0 : i32
    return %c0_i32, %c0_i32_0 : i32, i32
  }
  func.func @transform_3(%arg0: i32, %arg1: i32) -> (i32, i32, i32) {
    %c0_i32 = arith.constant 0 : i32
    %c0_i32_0 = arith.constant 0 : i32
    %c0_i32_1 = arith.constant 0 : i32
    return %arg0, %c0_i32, %c0_i32_0 : i32, i32, i32
  }
}

</mosaic_0001>

<sc_bundles>
// kernel: sparse-core-data-format-call.cloned.1.call-start
scs
called_computation_lowered:
.L_overlay_start_0:
0x0: {  	s2 =	sld [smem:$0x3FD9]  }
0x1: {  	s3 =	sld [smem:$0x3FFE];
	_ =	sdelay $0x1  }
0x2: {  	s1 =	srdreg.scid  }
0x3: {  	s0 =	sand.u32 $0x1, s1  }
0x4: {  	s18 =	sshll.u32 s0, $0xA;
	s2 =	sadd.s32 s3, s2  }
0x5: {  	s2 =	sadd.s32 s2, s18  }
0x6: {  	[smem:$0x3FB9] =	sst s2  }
0x7: {  	_ = 	snop  }
0x8: {  	s2 =	sld [smem:$0x3FC8];
	(tm) =	ssettm $0x1  }
0x9: {  	s19 =	sld [smem:$0x3FFB];
	_ =	sdelay $0x3  }
0xa: {  	_ =	strace s19  }
0xb: {  	s3 =	sld [smem:$0x3FFC];
	_ =	sdelay $0x3  }
0xc: {  	_ =	strace s3  }
0xd: {  	s3 =	sld [smem:$0x3FFD];
	_ =	sdelay $0x3  }
0xe: {  	_ =	strace s3  }
0xf: {  	_ =	strace $0x8FFFFFFF  }
0x10: {  	s20 =	sld [smem:$0x3FDB];
	_ =	sdelay $0x1  }
0x11: {  	s4 =	simm.s32 $_scs_section_size  }
0x12: {  	s5 =	simm.s32 $_size__tile_overlayer_lowered;
	s6 =	simm.s32 $_tile_overlayer_lowered  }
0x13: {  	s23 =	simm.s32 $0x1BFF;
	s22 =	sshll.u32 s6, $0x1;
	s3 =	sadd.s32 s4, s20  }
0x14: {  	s7 =	simm.s32 $0x0;
	s21 =	sshll.u32 s5, $0x1;
	s5 =	sadd.s32 s22, s3  }
0x15: {  	[timem:s7], [sflag:s23] =	dma.local [hbm:s5], s21  }
0x16: {  	_ =	swait.ge [sflag:s23], s21  }
0x17: {  	s4 =	ssub.s32 $0x0, s21;
	[sflag:s23] =	ssyncset.done $0x0  }
0x18: {  	[sflag:s23] =	ssyncadd.s32 s4;
	_ =	sdelay $0x1  }
0x19: {  	s24 =	simm.s32 $0x1B8B  }
0x1a: {  	_ =	swait.ge [sflag:s24], $0x1  }
0x1b: {  	[sflag:s24] =	ssyncset.done $0x0  }
0x1c: {  	s26 =	simm.s32 $0x1B8E;
	s25 =	sld [smem:$0x3FFE];
	[sflag:s24] =	ssyncadd.s32 $0xFFFFFFFF  }
0x1d: {  	s27 =	simm.s32 $execute0_lowered;
	[smem:$0x3FD2] =	sst s26  }
0x1e: {  	s5 =	sshll.u32 s27, $0x1;
	_ =	strace $0x80000046;
	[dreg:$0x1] =	wrdreg $0xFFFFFFFF  }
0x1f: {  	s28 =	simm.s32 $_size_execute0_lowered;
	s3 =	sadd.s32 s3, s5;
	[dreg:$0x0] =	wrdreg $0x0  }
0x20: {  	s5 =	sshll.u32 s28, $0x1;
	[dreg:$0x2] =	wrdreg s3  }
0x21: {  	[dreg:$0x3] =	wrdreg s5  }
0x22: {  	[dreg:$0x4] =	wrdreg $0xC0  }
0x23: {  	_ =	task [dreg:s7], $0x5FFFF  }
0x24: {  	[dreg:$0x1] =	wrdreg $0xFFFFFFFF  }
0x25: {  	[dreg:$0x0] =	wrdreg $0x60  }
0x26: {  	[dreg:$0x2] =	wrdreg s2  }
0x27: {  	[dreg:$0x3] =	wrdreg s25  }
0x28: {  	[dreg:$0x4] =	wrdreg $0x9  }
0x29: {  	_ =	task.clear_ibuf [dreg:s7], $0x5FFFF;
	_ =	strace $0x90000046  }
0x2a: {  	s29 =	simm.s32 $0x9;
	_ =	strace $0x80000048  }
0x2b: {  	_ =	swait.ge [sflag:s29], $0x1  }
0x2c: {  	[sflag:s29] =	ssyncadd.s32 $0xFFFFFFFF  }
0x2d: {  	_ =	strace $0x90000048  }
0x2e: {  	_ =	sfence  }
0x2f: {  	s30 =	sld [smem:$0x0];
	_ =	sdelay $0x2  }
0x30: {  	s31 =	sshll.u32 s1, $0xD;
	s1 =	sshrl.u32 s1, $0x2  }
0x31: {  	s3 =	sand.u32 $0x4000, s31;
	s1 =	sadd.s32 s1, s30  }
0x32: {  	s0 =	sor.u32 s3, s0;
	s1 =	sshll.u32 s1, $0x11  }
0x33: {  	s0 =	sor.u32 s1, s0  }
0x34: {  	s0 =	sadd.s32 $0x8F2B, s0  }
0x35: {  	[sflag:s0] =	ssyncadd.remote.s32 $0x1  }
0x36: {  	_ =	sfence.sel $0xFFFF  }
0x37: {  	[dreg:$0x0] =	wrdreg $0xFFFFFFFF;
	(pc) =	sbr.abs _section_cstart, $3  }
0x38: {  	[dreg:$0x1] =	wrdreg $0xFFFFFFFF  }
0x39: {  	_ =	task.clear_ibuf [dreg:s7], $0x2FFFF;
	_ =	strace $0x9FFFFFFF  }
0x3a: {  	(tm) =	ssettm $0x7FFFFFFF  }
0x3b: {  	_ =	shalt  }
tec
execute0_lowered:
.L_overlay_start_1:
0x0: {  	(tag) =	ssettag $0x1  }
0x1: {  	s0 =	srdreg.scid;
	s8 =	rddreg [dreg:$0x0]  }
0x2: {  	s5 =	rddreg [dreg:$0x1];
	s9 =	simm.s32 $0x2;
	s0 =	sshll.u32 s0, $0x7  }
0x3: {  	s17 =	simm.s32 $0x0;
	p0 =	por $0x0, $0x0;
	s1 =	sand.u32 $0x80, s0  }
0x4: {  	s16 =	simm.s32 $0x0;
	s15 =	simm.s32 $0x0;
	s2 =	ssub.s32 $0x100, s1  }
0x5: {  	s18 =	simm.s32 $0x0;
	s0 =	stileid.u32;
	s4 =	sshrl.u32 s2, $0x7  }
0x6: {  	s3 =	sand.u32 $0x1, s0;
	s2 =	sshrl.u32 s2, $0x8;
	s4 =	sand.u32 $0x1, s4  }
0x7: {  	s14 =	simm.s32 $0x0;
	s6 =	ssub.s32 $0x2, s3;
	s4 =	sadd.s32 s2, s4  }
0x8: {  	s11 =	simm.s32 $0x0;
	s12 =	simm.s32 $0x0;
	s7 =	smul.u32 s4, s6  }
.Ltmp0:
0x9: {  	s13 =	simm.s32 $0x0;
	s2 =	rddreg [dreg:$0x2];
	(pc) =	sbr.rel .LBB1_1-.Ltmp0, $4  }
0xa: {  	_ =	strace $0x80000047;
	s4 =	sadd.s32 $0x1A00, s5;
	s5 =	simm.s32 $0x1  }
0xb: {  	s6 =	sshrl.u32 s0, $0x1;
	[sflag:s5] =	ssyncpa.u1 $0x0;
	s7 =	smul.u32 $0x2A, s7  }
0xc: {  	s8 =	sadd.s32 s1, s8;
	s10 =	sshll.u32 s6, $0x4;
	[sflag:s9] =	ssyncpa.u1 $0x0  }
0xd: {  	s8 =	sadd.s32 s8, s10;
	s10 =	smov.u32 s3;
	s9 =	sor.u32 $0x1, s7  }
.LBB1_4:
0xe: {  	v5 =	vld [tilespmem:s22+$0xFFFFFFD0];
	[tilespmem:s21+$0x2040 ss:$0x81] =	vst.msk $0xffff, v1  }
0xf: {  	v58 =	vld [tilespmem:s22+$0xFFFFFFE0];
	[tilespmem:s21+$0x2850 ss:$0x81] =	vst.msk $0xffff, v2  }
0x10: {  	s23 =	sshra.s32 s23, $0x2;
	v59 =	vld [tilespmem:s22+$0xFFFFFFF0];
	[tilespmem:s21+$0x3060 ss:$0x81] =	vst.msk $0xffff, v3  }
0x11: {  	v60 =	vld [tilespmem:s22+$0x0];
	[tilespmem:s21+$0x0 ss:$0x81] =	vst.msk $0xffff, v0;
	s20 =	sadd.s32 s23, s20  }
0x12: {  	v61 =	vld [tilespmem:s22+$0x10];
	[tilespmem:s20+$0x3870 ss:$0x81] =	vst.msk $0xffff, v4  }
0x13: {  	v62 =	vld [tilespmem:s22+$0x20];
	s18 =	smul.u32 $0x18000, s18;
	[tilespmem:s20+$0x810 ss:$0x81] =	vst.msk $0xffff, v5  }
0x14: {  	v63 =	vld [tilespmem:s22+$0xFFFFFFC0];
	s29 =	sshrl.u32 s14, $0x3;
	[tilespmem:s20+$0x1020 ss:$0x81] =	vst.msk $0xffff, v58  }
0x15: {  	s17 =	sshll.u32 s17, $0x4;
	s21 =	sand.u32 $0xF, s29;
	s18 =	sadd.s32 s4, s18;
	[tilespmem:s20+$0x1830 ss:$0x81] =	vst.msk $0xffff, v59  }
0x16: {  	s30 =	sand.u32 $0xF80, s14;
	s15 =	sshll.u32 s15, $0xF;
	s18 =	sadd.s32 s21, s18;
	[tilespmem:s20+$0x2040 ss:$0x81] =	vst.msk $0xffff, v60  }
0x17: {  	s16 =	sshll.u32 s16, $0xC;
	s17 =	sadd.s32 s30, s17;
	s15 =	sadd.s32 s15, s18;
	[tilespmem:s20+$0x2850 ss:$0x81] =	vst.msk $0xffff, v61  }
0x18: {  	s17 =	sand.u32 $0xF80, s17;
	[tilespmem:s20+$0x3060 ss:$0x81] =	vst.msk $0xffff, v62;
	s15 =	sadd.s32 s16, s15  }
0x19: {  	s31 =	sand.u32 $0x7, s14;
	[tilespmem:s20+$0x0 ss:$0x81] =	vst.msk $0xffff, v63;
	s15 =	sadd.s32 s17, s15  }
0x1a: {  	[hbm4b:s15+s31] =	stream.linear.scatter [tilespmem:s19], [sflag:$0x2], $0x4000, $0x20;
	[tilespmem:$0x10100] =	vst v63  }
.LBB1_5:
0x1b: {  	s19 =	sadd.s32 $0x2, s10  }
0x1c: {  	s14 =	simm.s32 $0x1;
	p2 =	sgt.s32 s19, $0x2  }
0x1d: {  	s14 =	simm.s32 @!p2 $0x0  }
0x1e: {  	s20 =	sadd.s32 s14, s11  }
0x1f: {  	s21 =	smov.u32 s12;
	s14 =	sadd.s32 $0x80, s12;
	p3 =	sgt.s32 s20, $0x29  }
0x20: {  	p1 =	slt.u32 s13, $0x2;
	s21 =	smov.u32 @p3 s14  }
0x21: {  	s22 =	sadd.s32 $0x1, s13;
	s19 =	smov.u32 @p2 s3;
	p2 =	sgt.s32 s21, $0x63  }
0x22: {  	s16 =	simm.s32 @!p1 $0x2;
	s21 =	simm.s32 @p2 $0x0;
	p2 =	sne.s32 s13, s9  }
.Ltmp1:
0x23: {  	s15 =	smov.u32 s10;
	_ =	swait.ge @!p1 [sflag:s16], $0x4000;
	(pc) =	sbr.rel @!p2 .LBB1_6-.Ltmp1, $4  }
0x24: {  	s18 =	smov.u32 s11;
	p0 =	por !p0, !p0;
	[sflag:s16] =	ssyncset.done @!p1 $0x0  }
0x25: {  	s17 =	smov.u32 s1;
	s10 =	smov.u32 s19;
	[sflag:s16] =	ssyncadd.s32 @!p1 $0xFFFFC000  }
0x26: {  	s16 =	smov.u32 s6;
	s20 =	simm.s32 @p3 $0x0;
	s14 =	smov.u32 s12  }
0x27: {  	s11 =	smov.u32 s20;
	s13 =	smov.u32 s22;
	s12 =	smov.u32 s21  }
.LBB1_1:
0x28: {  	p1 =	sge.u32 s13, s7;
	s19 =	smov.u32 s12  }
0x29: {  	p2 =	sgt.s32 @!p1 s12, $0xFFFFFFE4;
	s20 =	sshra.s32 @!p1 s12, $0x1F;
	s21 =	sshra.s32 @!p1 s11, $0x1F  }
0x2a: {  	p3 =	sgt.s32 @!p1 s10, $0x2;
	s23 =	sshra.s32 @!p1 s10, $0x1F;
	p2 =	por !p2, p1  }
0x2b: {  	s20 =	sand.u32 @!p1 s20, s12;
	s19 =	simm.s32 @p2 $0xFFFFFFE4;
	p2 =	sgt.s32 @!p1 s11, $0x29  }
0x2c: {  	s19 =	ssub.s32 @!p1 s19, s20;
	p2 =	por !p2, p1;
	s20 =	smov.u32 s11  }
0x2d: {  	s21 =	sand.u32 @!p1 s21, s11;
	s19 =	sadd.s32 @!p1 $0x1C, s19;
	s20 =	simm.s32 @p2 $0x29  }
0x2e: {  	p3 =	por !p3, p1;
	p2 =	sgt.s32 @!p1 s19, $0x7F;
	s20 =	ssub.s32 @!p1 s20, s21  }
0x2f: {  	s21 =	smov.u32 s10;
	s19 =	sshll.u32 @!p1 s19, $0x7;
	s22 =	sadd.s32 @!p1 $0xFFFFFFD7, s20  }
0x30: {  	s21 =	simm.s32 @p3 $0x2;
	p3 =	sgt.s32 @!p1 s22, $0x0;
	s22 =	sand.u32 @!p1 s23, s10  }
0x31: {  	s20 =	ssub.s32 @!p1 $0x2A, s20;
	s19 =	ssub.s32 @!p1 $0x4000, s19;
	s21 =	ssub.s32 @!p1 s21, s22  }
0x32: {  	p2 =	por !p2, p1;
	p3 =	por !p3, p1;
	s22 =	sadd.s32 @!p1 $0xFFFFFFFE, s21  }
0x33: {  	s19 =	simm.s32 @!p2 $0x0;
	s20 =	simm.s32 @!p3 $0x0;
	p3 =	sgt.s32 @!p1 s22, $0x0  }
0x34: {  	s21 =	ssub.s32 @!p1 $0x3, s21;
	s19 =	smul.u32 @!p1 s20, s19;
	p2 =	por !p3, p1  }
0x35: {  	s21 =	simm.s32 @!p2 $0x0  }
0x36: {  	s19 =	smul.u32 @!p1 s21, s19  }
0x37: {  	s21 =	smul.u32 @!p1 $0x7E00, s12  }
0x38: {  	s31 =	sadd.s32 $0xFFFFFFFF, s13;
	s20 =	sxor.u32 @!p1 $0xFFFFFFFF, s13;
	s22 =	smul.u32 @!p1 $0x300, s11  }
0x39: {  	s23 =	sshll.u32 @!p1 s10, $0x8;
	s20 =	sshll.u32 @!p1 s20, $0xE;
	s21 =	sadd.s32 @!p1 s21, s8  }
0x3a: {  	s20 =	sand.u32 @!p1 $0x4000, s20;
	s19 =	sand.u32 @!p1 $0x3FFFFF80, s19;
	s21 =	sadd.s32 @!p1 s22, s21  }
0x3b: {  	s22 =	simm.s32 @!p1 $0x80;
	s21 =	sadd.s32 @!p1 s23, s21;
	s23 =	simm.s32 @!p1 $0x3F000  }
0x3c: {  	[tilespmem:s20], [sflag:$0x1] =	stream.strided.gather @!p1 [hbm4b:s21+s22], s19, s23, s22, $0x38;
	[tilespmem:$0x10100] =	vst v63  }
0x3d: {  	p1 =	sge.u32 s31, s7  }
.Ltmp2:
0x3e: {  	_ = 	snop;
	(pc) =	sbr.rel @p1 .LBB1_5-.Ltmp2, $1  }
0x3f: {  	_ =	sdelay $0x3  }
0x40: {  	p1 =	sgt.s32 s14, $0xFFFFFFE4  }
0x41: {  	s19 =	smov.u32 s14;
	s20 =	sshra.s32 s14, $0x1F;
	s21 =	sshra.s32 s18, $0x1F  }
0x42: {  	p2 =	sgt.s32 s15, $0x2;
	s19 =	simm.s32 @!p1 $0xFFFFFFE4;
	s20 =	sand.u32 s20, s14  }
0x43: {  	s23 =	sshra.s32 s15, $0x1F;
	p1 =	sgt.s32 s18, $0x29;
	s19 =	ssub.s32 s19, s20  }
0x44: {  	s21 =	sand.u32 s21, s18;
	s20 =	smov.u32 s18;
	s19 =	sadd.s32 $0x1C, s19  }
0x45: {  	s27 =	sand.u32 s23, s15;
	s20 =	simm.s32 @!p1 $0x29;
	p1 =	sgt.s32 s19, $0x7F  }
0x46: {  	s20 =	ssub.s32 s20, s21;
	s21 =	smov.u32 s15;
	s19 =	sshll.u32 s19, $0x7  }
0x47: {  	s22 =	sadd.s32 $0xFFFFFFD7, s20;
	s21 =	simm.s32 @!p2 $0x2;
	s20 =	ssub.s32 $0x2A, s20  }
0x48: {  	s19 =	ssub.s32 $0x4000, s19;
	p2 =	sgt.s32 s22, $0x0;
	s21 =	ssub.s32 s21, s27  }
0x49: {  	s19 =	simm.s32 @p1 $0x0;
	s20 =	simm.s32 @p2 $0x0;
	s22 =	sadd.s32 $0xFFFFFFFE, s21  }
0x4a: {  	s21 =	ssub.s32 $0x3, s21;
	p1 =	sgt.s32 s22, $0x0;
	s19 =	smul.u32 s20, s19  }
0x4b: {  	s21 =	simm.s32 @p1 $0x0  }
0x4c: {  	s19 =	smul.u32 s21, s19;
	_ =	sdelay $0x1  }
0x4d: {  	s20 =	simm.s32 $0x1;
	s19 =	sand.u32 $0x3FFFFF80, s19  }
0x4e: {  	s20 =	simm.s32 @!p0 $0x0;
	_ =	swait.ge [sflag:s5], s19  }
0x4f: {  	s28 =	sshll.u32 s20, $0xE;
	s19 =	ssub.s32 $0x0, s19;
	[sflag:s5] =	ssyncset.done $0x0  }
0x50: {  	s29 =	sor.u32 $0x40, s28;
	[sflag:s5] =	ssyncadd.s32 s19  }
0x51: {  	s30 =	smul.u32 $0x10200, s20;
	v0 =	vld [tilespmem:s29+$0x30]  }
0x52: {  	v3 =	vld [tilespmem:s29+$0xFFFFFFD0]  }
0x53: {  	s19 =	sshrl.u32 s30, $0x2;
	v4 =	vld [tilespmem:s29+$0xFFFFFFE0]  }
0x54: {  	s20 =	sor.u32 $0x8000, s19;
	v5 =	vld [tilespmem:s29+$0xFFFFFFF0]  }
0x55: {  	s31 =	sand.u32 $0x1, s13;
	v1 =	vld [tilespmem:s29+$0x0];
	s21 =	sadd.s32 $0x0, s20  }
0x56: {  	s19 =	smul.u32 $0x10200, s31;
	v2 =	vld [tilespmem:s29+$0x10];
	[tilespmem:s21+$0x3870 ss:$0x81] =	vst.msk $0xffff, v0  }
0x57: {  	[tilespmem:s21+$0x810 ss:$0x81] =	vst.msk $0xffff, v3;
	v3 =	vld [tilespmem:s29+$0x20]  }
0x58: {  	s22 =	sadd.s32 $0x80, s29;
	s19 =	sshrl.u32 s19, $0x2;
	v0 =	vld [tilespmem:s29+$0xFFFFFFC0];
	[tilespmem:s21+$0x1020 ss:$0x81] =	vst.msk $0xffff, v4  }
0x59: {  	s24 =	simm.s32 $0x8;
	s23 =	simm.s32 $0x4;
	s19 =	sor.u32 $0x8000, s19;
	v4 =	vld [tilespmem:s22+$0x30];
	[tilespmem:s21+$0x1830 ss:$0x81] =	vst.msk $0xffff, v5  }
.LBB1_3:
0x5a: {  	p1 =	sne.s32 s24, $0x1FC;
	v5 =	vld [tilespmem:s22+$0xFFFFFFD0];
	[tilespmem:s21+$0x2040 ss:$0x81] =	vst.msk $0xffff, v1  }
0x5b: {  	v6 =	vld [tilespmem:s22+$0xFFFFFFE0];
	[tilespmem:s21+$0x2850 ss:$0x81] =	vst.msk $0xffff, v2  }
0x5c: {  	s25 =	sshra.s32 s23, $0x2;
	s23 =	smov.u32 s24;
	v7 =	vld [tilespmem:s22+$0xFFFFFFF0];
	[tilespmem:s21+$0x3060 ss:$0x81] =	vst.msk $0xffff, v3  }
.Ltmp3:
0x5d: {  	v1 =	vld [tilespmem:s22+$0x0];
	[tilespmem:s21+$0x0 ss:$0x81] =	vst.msk $0xffff, v0;
	s21 =	sadd.s32 s25, s20;
	(pc) =	sbr.rel @p1 .LBB1_3-.Ltmp3, $4  }
0x5e: {  	v2 =	vld [tilespmem:s22+$0x10];
	[tilespmem:s21+$0x3870 ss:$0x81] =	vst.msk $0xffff, v4  }
0x5f: {  	[tilespmem:s21+$0x810 ss:$0x81] =	vst.msk $0xffff, v5;
	v3 =	vld [tilespmem:s22+$0x20]  }
0x60: {  	v0 =	vld [tilespmem:s22+$0xFFFFFFC0];
	[tilespmem:s21+$0x1020 ss:$0x81] =	vst.msk $0xffff, v6;
	s22 =	sadd.s32 $0x80, s22  }
0x61: {  	s24 =	sadd.s32 $0x4, s24;
	v4 =	vld [tilespmem:s22+$0x30];
	[tilespmem:s21+$0x1830 ss:$0x81] =	vst.msk $0xffff, v7  }
.Ltmp4:
0x62: {  	_ = 	snop;
	(pc) =	sbr.rel .LBB1_4-.Ltmp4, $1  }
0x63: {  	_ =	sdelay $0x3  }
.LBB1_6:
0x64: {  	_ =	sfence.sel $0x180000  }
0x65: {  	s1 =	simm.s32 $0x1;
	[bflag:$0x0] =	sbarrier.arrive $0xFFFF  }
0x66: {  	s31 =	simm.s32 $0x2;
	[sflag:s1] =	ssyncpa.u1 $0x1  }
0x67: {  	[sflag:s31] =	ssyncpa.u1 $0x1  }
0x68: {  	p0 =	sne.s32 s0, $0x0;
	_ =	strace $0x90000047  }
0x69: {  	s0 =	sadd.s32 @!p0 $0x100000, s2;
	[bflag:$0x2] =	sbarrier.arrive $0xFFFF  }
0x6a: {  	[sflag:s0] =	ssyncadd.tile.s32 @!p0 $0x1;
	_ =	shalt  }
.Lfunc_end1:
_tile_overlayer_lowered:
.L_overlay_start_2:
0x6b: {  	(tag) =	ssettag $0x2  }
0x6c: {  	s0 =	rddreg [dreg:$0x0];
	s2 =	stileid.u32  }
0x6d: {  	s1 =	rddreg [dreg:$0x1];
	p0 =	sne.s32 s2, $0x0  }
0x6e: {  	s3 =	rddreg [dreg:$0x2];
	[bflag:$0x3] =	sbarrier.arrive $0xFFFF;
	s2 =	simm.s32 @!p0 $0x1C01  }
0x6f: {  	[timem:s3], [sflag:s2] =	dma.local @!p0 [hbm:s0], s1  }
0x70: {  	s0 =	simm.s32 @!p0 $0x1  }
0x71: {  	_ =	swait.ge @!p0 [sflag:s0], s1  }
0x72: {  	s1 =	ssub.s32 @!p0 $0x0, s1;
	[sflag:s0] =	ssyncset.done @!p0 $0x0  }
0x73: {  	[sflag:s0] =	ssyncadd.s32 @!p0 s1  }
0x74: {  	[bflag:$0x3] =	sbarrier.arrive $0xFFFF  }
0x75: {  	_ =	shalt  }

</sc_bundles>
